<compile_context>
chip_gen: v7x
topology: tpu7x:2x2x1
jax: 0.10.2.dev20260603
libtpu: 0.0.44.dev20260713+nightly
codegen_flags: <defaults>
</compile_context>

<pallas_src>
import functools

import jax
import jax.numpy as jnp
from jax import lax
from jax.experimental import pallas as pl
from jax.experimental.pallas import tpu as pltpu
from jax.experimental.pallas import tpu_sc as plsc

_N = 1048576
_NC = 2
_NS = 16
_NW = _NC * _NS
_CHUNK = _N // _NW
_ZB = 4096
_NDMA = _CHUNK // _ZB

_mesh = plsc.VectorSubcoreMesh(core_axis_name="c", subcore_axis_name="s")


@functools.partial(
    pl.kernel,
    mesh=_mesh,
    out_type=jax.ShapeDtypeStruct((_N,), jnp.float32),
    scratch_types=[
        pltpu.VMEM((_ZB,), jnp.float32),
        pltpu.VMEM((16,), jnp.int32),
        pltpu.VMEM((16,), jnp.float32),
        pltpu.VMEM((16,), jnp.float32),
        pltpu.VMEM((16,), jnp.float32),
        pltpu.VMEM((16,), jnp.float32),
        pltpu.VMEM((16,), jnp.float32),
        pltpu.VMEM((16,), jnp.float32),
        pltpu.SemaphoreType.DMA,
    ],
)
def _sc_fill(y_hbm, c_hbm, out_hbm, zbuf, idxv, ca, cb, ya, yb, yc, hv, sem):
    cid = lax.axis_index("c")
    sid = lax.axis_index("s")
    wid = sid * _NC + cid
    base = wid * _CHUNK

    zero = jnp.zeros((16,), jnp.float32)

    def zfill(i, carry):
        b = i * 128
        for k in range(8):
            zbuf[pl.ds(b + k * 16, 16)] = zero
        return carry

    lax.fori_loop(0, _ZB // 128, zfill, 0)

    copies = []
    for j in range(_NDMA):
        copies.append(
            pltpu.make_async_copy(zbuf, out_hbm.at[pl.ds(base + j * _ZB, _ZB)], sem)
        )
    for cp in copies:
        cp.start()
    for cp in copies:
        cp.wait()

    @pl.when(wid == 0)
    def _head():
        l = lax.iota(jnp.int32, 16)
        one = jnp.ones((16,), jnp.int32)
        idxv[...] = jnp.where(l == 0, 19 * one, jnp.where(l == 1, 18 * one, 0 * one))
        cp = pltpu.make_async_copy(c_hbm.at[idxv], ca, sem)
        cp.start()
        cp.wait()
        idxv[...] = jnp.where(l == 0, 17 * one, jnp.where(l == 1, 19 * one, one))
        cp = pltpu.make_async_copy(c_hbm.at[idxv], cb, sem)
        cp.start()
        cp.wait()
        idxv[...] = 3 * one
        cp = pltpu.make_async_copy(y_hbm.at[idxv], ya, sem)
        cp.start()
        cp.wait()
        idxv[...] = one
        cp = pltpu.make_async_copy(y_hbm.at[idxv], yb, sem)
        cp.start()
        cp.wait()
        idxv[...] = 2 * one
        cp = pltpu.make_async_copy(y_hbm.at[idxv], yc, sem)
        cp.start()
        cp.wait()
        prod = ca[...] * cb[...]
        quot = ca[...] / cb[...]
        s = ya[...] + yb[...] + 2.0 * yc[...]
        zf = jnp.zeros((16,), jnp.float32)
        hv[...] = jnp.where(
            l == 0, prod, jnp.where(l == 1, quot, jnp.where(l == 2, s, zf))
        )
        cp = pltpu.make_async_copy(hv, out_hbm.at[pl.ds(0, 16)], sem)
        cp.start()
        cp.wait()


def kernel(y, w, c, t):
    return _sc_fill(y, c)

# --- scband reference (transcript-rebuilt; emitter-appended) ---
"""Pipeline reference for scband-assignment-rule-2911987827236 (READ-ONLY COPY).

The authoritative reference and input builder live on the scoring server;
editing this copy changes nothing except your own understanding.
"""

import jax, jax.numpy as jnp
import numpy as np


def setup_inputs(seed: int = 0) -> dict:
    key = jax.random.key(seed)
    k_y, k_c = jax.random.split(key, 2)
    y = jax.random.normal(k_y, (1048576,), dtype=jnp.float32)
    w = jnp.zeros((1048576,), dtype=jnp.float32)
    c = jax.random.uniform(k_c, (21,), dtype=jnp.float32, minval=0.0, maxval=1.0)
    t = jnp.zeros((1,), dtype=jnp.float32)
    return {"y": y, "w": w, "c": c, "t": t}


def reference(y, w, c, t):
    # Faithful translation of AssignmentRule.__call__:
    # scatter-overwrite assignments into the state buffer w.
    w = w.at[0].set(c[19] * c[17])
    w = w.at[1].set(c[18] / c[19])
    w = w.at[2].set(y[3] / 1.0 + y[1] / 1.0 + 2 * (y[2] / 1.0))
    return w

if __name__ == "__main__":
    import jax
    _d = setup_inputs()
    print(jax.jit(kernel)(*tuple(_d.values())))

</pallas_src>

<mosaic_0001>
#map = affine_map<(d0, d1) -> (0)>
module attributes {stable_mosaic.version = 14 : i64} {
  func.func @_sc_fill(%arg0: i32, %arg1: i32, %arg2: memref<1048576xf32, #tpu.memory_space<hbm>>, %arg3: memref<21xf32, #tpu.memory_space<hbm>>, %arg4: memref<1048576xf32, #tpu.memory_space<hbm>>, %arg5: memref<4096xf32, #tpu.memory_space<vmem>>, %arg6: memref<16xi32, #tpu.memory_space<vmem>>, %arg7: memref<16xf32, #tpu.memory_space<vmem>>, %arg8: memref<16xf32, #tpu.memory_space<vmem>>, %arg9: memref<16xf32, #tpu.memory_space<vmem>>, %arg10: memref<16xf32, #tpu.memory_space<vmem>>, %arg11: memref<16xf32, #tpu.memory_space<vmem>>, %arg12: memref<16xf32, #tpu.memory_space<vmem>>, %arg13: memref<!tpu.dma_semaphore, #tpu.memory_space<semaphore_mem>>) attributes {dimension_semantics = [#tpu.dimension_semantics<core_parallel>, #tpu.dimension_semantics<subcore_parallel>], iteration_bounds = array<i64: 2, 16>, scalar_prefetch = 0 : i64, scratch_operands = 9 : i64, tpu.core_type = #tpu.core_type<sc_vector_subcore>, window_params = [{transform_indices = #map}, {transform_indices = #map}, {transform_indices = #map}]} {
    %mul3A = arith.constant 2 : i32
    %mul3A_0 = arith.muli %arg1, %mul3A : i32
    %add3A = arith.addi %mul3A_0, %arg0 : i32
    %mul3A_1 = arith.constant 32768 : i32
    %mul3A_2 = arith.muli %add3A, %mul3A_1 : i32
    %broadcast_in_dim3A = arith.constant 0.000000e+00 : f32
    %broadcast_in_dim3A_3 = vector.broadcast %broadcast_in_dim3A : f32 to vector<16xf32>
    %scan3A = arith.constant 0 : i32
    %scan3A_4 = arith.constant 0 : i32
    %scan3A_5 = arith.constant 32 : i32
    %scan3A_6 = arith.addi %scan3A_4, %scan3A_5 : i32
    %scan3A_7 = arith.constant 1 : i32
    scf.for %scan3A_57 = %scan3A_4 to %scan3A_6 step %scan3A_7  : i32 {
      %mul3A_58 = arith.constant 128 : i32
      %mul3A_59 = arith.muli %scan3A_57, %mul3A_58 : i32
      %add3A_60 = arith.constant 0 : i32
      %add3A_61 = arith.addi %mul3A_59, %add3A_60 : i32
      %swap3A = arith.index_cast %add3A_61 : i32 to index
      %swap3A_62 = tpu.vector_load %arg5[%swap3A] {strides = array<i32>} : memref<4096xf32, #tpu.memory_space<vmem>>, vector<16xf32>,
      %swap3A_63 = vector.shape_cast %swap3A_62 : vector<16xf32> to vector<16xf32>
      %swap3A_64 = vector.shape_cast %broadcast_in_dim3A_3 : vector<16xf32> to vector<16xf32>
      tpu.vector_store %arg5[%swap3A], %swap3A_64 {strides = array<i32>} : memref<4096xf32, #tpu.memory_space<vmem>>, vector<16xf32>,
      %add3A_65 = arith.constant 16 : i32
      %add3A_66 = arith.addi %mul3A_59, %add3A_65 : i32
      %swap3A_67 = arith.index_cast %add3A_66 : i32 to index
      %swap3A_68 = tpu.vector_load %arg5[%swap3A_67] {strides = array<i32>} : memref<4096xf32, #tpu.memory_space<vmem>>, vector<16xf32>,
      %swap3A_69 = vector.shape_cast %swap3A_68 : vector<16xf32> to vector<16xf32>
      %swap3A_70 = vector.shape_cast %broadcast_in_dim3A_3 : vector<16xf32> to vector<16xf32>
      tpu.vector_store %arg5[%swap3A_67], %swap3A_70 {strides = array<i32>} : memref<4096xf32, #tpu.memory_space<vmem>>, vector<16xf32>,
      %add3A_71 = arith.constant 32 : i32
      %add3A_72 = arith.addi %mul3A_59, %add3A_71 : i32
      %swap3A_73 = arith.index_cast %add3A_72 : i32 to index
      %swap3A_74 = tpu.vector_load %arg5[%swap3A_73] {strides = array<i32>} : memref<4096xf32, #tpu.memory_space<vmem>>, vector<16xf32>,
      %swap3A_75 = vector.shape_cast %swap3A_74 : vector<16xf32> to vector<16xf32>
      %swap3A_76 = vector.shape_cast %broadcast_in_dim3A_3 : vector<16xf32> to vector<16xf32>
      tpu.vector_store %arg5[%swap3A_73], %swap3A_76 {strides = array<i32>} : memref<4096xf32, #tpu.memory_space<vmem>>, vector<16xf32>,
      %add3A_77 = arith.constant 48 : i32
      %add3A_78 = arith.addi %mul3A_59, %add3A_77 : i32
      %swap3A_79 = arith.index_cast %add3A_78 : i32 to index
      %swap3A_80 = tpu.vector_load %arg5[%swap3A_79] {strides = array<i32>} : memref<4096xf32, #tpu.memory_space<vmem>>, vector<16xf32>,
      %swap3A_81 = vector.shape_cast %swap3A_80 : vector<16xf32> to vector<16xf32>
      %swap3A_82 = vector.shape_cast %broadcast_in_dim3A_3 : vector<16xf32> to vector<16xf32>
      tpu.vector_store %arg5[%swap3A_79], %swap3A_82 {strides = array<i32>} : memref<4096xf32, #tpu.memory_space<vmem>>, vector<16xf32>,
      %add3A_83 = arith.constant 64 : i32
      %add3A_84 = arith.addi %mul3A_59, %add3A_83 : i32
      %swap3A_85 = arith.index_cast %add3A_84 : i32 to index
      %swap3A_86 = tpu.vector_load %arg5[%swap3A_85] {strides = array<i32>} : memref<4096xf32, #tpu.memory_space<vmem>>, vector<16xf32>,
      %swap3A_87 = vector.shape_cast %swap3A_86 : vector<16xf32> to vector<16xf32>
      %swap3A_88 = vector.shape_cast %broadcast_in_dim3A_3 : vector<16xf32> to vector<16xf32>
      tpu.vector_store %arg5[%swap3A_85], %swap3A_88 {strides = array<i32>} : memref<4096xf32, #tpu.memory_space<vmem>>, vector<16xf32>,
      %add3A_89 = arith.constant 80 : i32
      %add3A_90 = arith.addi %mul3A_59, %add3A_89 : i32
      %swap3A_91 = arith.index_cast %add3A_90 : i32 to index
      %swap3A_92 = tpu.vector_load %arg5[%swap3A_91] {strides = array<i32>} : memref<4096xf32, #tpu.memory_space<vmem>>, vector<16xf32>,
      %swap3A_93 = vector.shape_cast %swap3A_92 : vector<16xf32> to vector<16xf32>
      %swap3A_94 = vector.shape_cast %broadcast_in_dim3A_3 : vector<16xf32> to vector<16xf32>
      tpu.vector_store %arg5[%swap3A_91], %swap3A_94 {strides = array<i32>} : memref<4096xf32, #tpu.memory_space<vmem>>, vector<16xf32>,
      %add3A_95 = arith.constant 96 : i32
      %add3A_96 = arith.addi %mul3A_59, %add3A_95 : i32
      %swap3A_97 = arith.index_cast %add3A_96 : i32 to index
      %swap3A_98 = tpu.vector_load %arg5[%swap3A_97] {strides = array<i32>} : memref<4096xf32, #tpu.memory_space<vmem>>, vector<16xf32>,
      %swap3A_99 = vector.shape_cast %swap3A_98 : vector<16xf32> to vector<16xf32>
      %swap3A_100 = vector.shape_cast %broadcast_in_dim3A_3 : vector<16xf32> to vector<16xf32>
      tpu.vector_store %arg5[%swap3A_97], %swap3A_100 {strides = array<i32>} : memref<4096xf32, #tpu.memory_space<vmem>>, vector<16xf32>,
      %add3A_101 = arith.constant 112 : i32
      %add3A_102 = arith.addi %mul3A_59, %add3A_101 : i32
      %swap3A_103 = arith.index_cast %add3A_102 : i32 to index
      %swap3A_104 = tpu.vector_load %arg5[%swap3A_103] {strides = array<i32>} : memref<4096xf32, #tpu.memory_space<vmem>>, vector<16xf32>,
      %swap3A_105 = vector.shape_cast %swap3A_104 : vector<16xf32> to vector<16xf32>
      %swap3A_106 = vector.shape_cast %broadcast_in_dim3A_3 : vector<16xf32> to vector<16xf32>
      tpu.vector_store %arg5[%swap3A_103], %swap3A_106 {strides = array<i32>} : memref<4096xf32, #tpu.memory_space<vmem>>, vector<16xf32>,
    }
    %scan3A_8 = arith.constant 32 : i32
    %add3A_9 = arith.constant 0 : i32
    %add3A_10 = arith.addi %mul3A_2, %add3A_9 : i32
    %add3A_11 = arith.constant 4096 : i32
    %add3A_12 = arith.addi %mul3A_2, %add3A_11 : i32
    %add3A_13 = arith.constant 8192 : i32
    %add3A_14 = arith.addi %mul3A_2, %add3A_13 : i32
    %add3A_15 = arith.constant 12288 : i32
    %add3A_16 = arith.addi %mul3A_2, %add3A_15 : i32
    %add3A_17 = arith.constant 16384 : i32
    %add3A_18 = arith.addi %mul3A_2, %add3A_17 : i32
    %add3A_19 = arith.constant 20480 : i32
    %add3A_20 = arith.addi %mul3A_2, %add3A_19 : i32
    %add3A_21 = arith.constant 24576 : i32
    %add3A_22 = arith.addi %mul3A_2, %add3A_21 : i32
    %add3A_23 = arith.constant 28672 : i32
    %add3A_24 = arith.addi %mul3A_2, %add3A_23 : i32
    %dma_start3A = tpu.memref_slice %arg4[%add3A_10] : memref<1048576xf32, #tpu.memory_space<hbm>> -> memref<4096xf32, #tpu.memory_space<hbm>>
    %dma_start3A_25 = tpu.memref_slice %arg4[%add3A_10] : memref<1048576xf32, #tpu.memory_space<hbm>> -> memref<4096xf32, #tpu.memory_space<hbm>>
    tpu.enqueue_dma source(%arg5 : memref<4096xf32, #tpu.memory_space<vmem>>) target(%dma_start3A_25 : memref<4096xf32, #tpu.memory_space<hbm>>) target_semaphore(%arg13 : memref<!tpu.dma_semaphore, #tpu.memory_space<semaphore_mem>>)
    %dma_start3A_26 = tpu.memref_slice %arg4[%add3A_12] : memref<1048576xf32, #tpu.memory_space<hbm>> -> memref<4096xf32, #tpu.memory_space<hbm>>
    %dma_start3A_27 = tpu.memref_slice %arg4[%add3A_12] : memref<1048576xf32, #tpu.memory_space<hbm>> -> memref<4096xf32, #tpu.memory_space<hbm>>
    tpu.enqueue_dma source(%arg5 : memref<4096xf32, #tpu.memory_space<vmem>>) target(%dma_start3A_27 : memref<4096xf32, #tpu.memory_space<hbm>>) target_semaphore(%arg13 : memref<!tpu.dma_semaphore, #tpu.memory_space<semaphore_mem>>)
    %dma_start3A_28 = tpu.memref_slice %arg4[%add3A_14] : memref<1048576xf32, #tpu.memory_space<hbm>> -> memref<4096xf32, #tpu.memory_space<hbm>>
    %dma_start3A_29 = tpu.memref_slice %arg4[%add3A_14] : memref<1048576xf32, #tpu.memory_space<hbm>> -> memref<4096xf32, #tpu.memory_space<hbm>>
    tpu.enqueue_dma source(%arg5 : memref<4096xf32, #tpu.memory_space<vmem>>) target(%dma_start3A_29 : memref<4096xf32, #tpu.memory_space<hbm>>) target_semaphore(%arg13 : memref<!tpu.dma_semaphore, #tpu.memory_space<semaphore_mem>>)
    %dma_start3A_30 = tpu.memref_slice %arg4[%add3A_16] : memref<1048576xf32, #tpu.memory_space<hbm>> -> memref<4096xf32, #tpu.memory_space<hbm>>
    %dma_start3A_31 = tpu.memref_slice %arg4[%add3A_16] : memref<1048576xf32, #tpu.memory_space<hbm>> -> memref<4096xf32, #tpu.memory_space<hbm>>
    tpu.enqueue_dma source(%arg5 : memref<4096xf32, #tpu.memory_space<vmem>>) target(%dma_start3A_31 : memref<4096xf32, #tpu.memory_space<hbm>>) target_semaphore(%arg13 : memref<!tpu.dma_semaphore, #tpu.memory_space<semaphore_mem>>)
    %dma_start3A_32 = tpu.memref_slice %arg4[%add3A_18] : memref<1048576xf32, #tpu.memory_space<hbm>> -> memref<4096xf32, #tpu.memory_space<hbm>>
    %dma_start3A_33 = tpu.memref_slice %arg4[%add3A_18] : memref<1048576xf32, #tpu.memory_space<hbm>> -> memref<4096xf32, #tpu.memory_space<hbm>>
    tpu.enqueue_dma source(%arg5 : memref<4096xf32, #tpu.memory_space<vmem>>) target(%dma_start3A_33 : memref<4096xf32, #tpu.memory_space<hbm>>) target_semaphore(%arg13 : memref<!tpu.dma_semaphore, #tpu.memory_space<semaphore_mem>>)
    %dma_start3A_34 = tpu.memref_slice %arg4[%add3A_20] : memref<1048576xf32, #tpu.memory_space<hbm>> -> memref<4096xf32, #tpu.memory_space<hbm>>
    %dma_start3A_35 = tpu.memref_slice %arg4[%add3A_20] : memref<1048576xf32, #tpu.memory_space<hbm>> -> memref<4096xf32, #tpu.memory_space<hbm>>
    tpu.enqueue_dma source(%arg5 : memref<4096xf32, #tpu.memory_space<vmem>>) target(%dma_start3A_35 : memref<4096xf32, #tpu.memory_space<hbm>>) target_semaphore(%arg13 : memref<!tpu.dma_semaphore, #tpu.memory_space<semaphore_mem>>)
    %dma_start3A_36 = tpu.memref_slice %arg4[%add3A_22] : memref<1048576xf32, #tpu.memory_space<hbm>> -> memref<4096xf32, #tpu.memory_space<hbm>>
    %dma_start3A_37 = tpu.memref_slice %arg4[%add3A_22] : memref<1048576xf32, #tpu.memory_space<hbm>> -> memref<4096xf32, #tpu.memory_space<hbm>>
    tpu.enqueue_dma source(%arg5 : memref<4096xf32, #tpu.memory_space<vmem>>) target(%dma_start3A_37 : memref<4096xf32, #tpu.memory_space<hbm>>) target_semaphore(%arg13 : memref<!tpu.dma_semaphore, #tpu.memory_space<semaphore_mem>>)
    %dma_start3A_38 = tpu.memref_slice %arg4[%add3A_24] : memref<1048576xf32, #tpu.memory_space<hbm>> -> memref<4096xf32, #tpu.memory_space<hbm>>
    %dma_start3A_39 = tpu.memref_slice %arg4[%add3A_24] : memref<1048576xf32, #tpu.memory_space<hbm>> -> memref<4096xf32, #tpu.memory_space<hbm>>
    tpu.enqueue_dma source(%arg5 : memref<4096xf32, #tpu.memory_space<vmem>>) target(%dma_start3A_39 : memref<4096xf32, #tpu.memory_space<hbm>>) target_semaphore(%arg13 : memref<!tpu.dma_semaphore, #tpu.memory_space<semaphore_mem>>)
    %dma_wait3A = tpu.memref_slice %arg4[%add3A_10] : memref<1048576xf32, #tpu.memory_space<hbm>> -> memref<4096xf32, #tpu.memory_space<hbm>>
    %dma_wait3A_40 = tpu.memref_slice %arg4[%add3A_10] : memref<1048576xf32, #tpu.memory_space<hbm>> -> memref<4096xf32, #tpu.memory_space<hbm>>
    tpu.wait_dma2 semaphore(%arg13 : memref<!tpu.dma_semaphore, #tpu.memory_space<semaphore_mem>>) src(%arg5 : memref<4096xf32, #tpu.memory_space<vmem>>) dst(%dma_wait3A_40 : memref<4096xf32, #tpu.memory_space<hbm>>)
    %dma_wait3A_41 = tpu.memref_slice %arg4[%add3A_12] : memref<1048576xf32, #tpu.memory_space<hbm>> -> memref<4096xf32, #tpu.memory_space<hbm>>
    %dma_wait3A_42 = tpu.memref_slice %arg4[%add3A_12] : memref<1048576xf32, #tpu.memory_space<hbm>> -> memref<4096xf32, #tpu.memory_space<hbm>>
    tpu.wait_dma2 semaphore(%arg13 : memref<!tpu.dma_semaphore, #tpu.memory_space<semaphore_mem>>) src(%arg5 : memref<4096xf32, #tpu.memory_space<vmem>>) dst(%dma_wait3A_42 : memref<4096xf32, #tpu.memory_space<hbm>>)
    %dma_wait3A_43 = tpu.memref_slice %arg4[%add3A_14] : memref<1048576xf32, #tpu.memory_space<hbm>> -> memref<4096xf32, #tpu.memory_space<hbm>>
    %dma_wait3A_44 = tpu.memref_slice %arg4[%add3A_14] : memref<1048576xf32, #tpu.memory_space<hbm>> -> memref<4096xf32, #tpu.memory_space<hbm>>
    tpu.wait_dma2 semaphore(%arg13 : memref<!tpu.dma_semaphore, #tpu.memory_space<semaphore_mem>>) src(%arg5 : memref<4096xf32, #tpu.memory_space<vmem>>) dst(%dma_wait3A_44 : memref<4096xf32, #tpu.memory_space<hbm>>)
    %dma_wait3A_45 = tpu.memref_slice %arg4[%add3A_16] : memref<1048576xf32, #tpu.memory_space<hbm>> -> memref<4096xf32, #tpu.memory_space<hbm>>
    %dma_wait3A_46 = tpu.memref_slice %arg4[%add3A_16] : memref<1048576xf32, #tpu.memory_space<hbm>> -> memref<4096xf32, #tpu.memory_space<hbm>>
    tpu.wait_dma2 semaphore(%arg13 : memref<!tpu.dma_semaphore, #tpu.memory_space<semaphore_mem>>) src(%arg5 : memref<4096xf32, #tpu.memory_space<vmem>>) dst(%dma_wait3A_46 : memref<4096xf32, #tpu.memory_space<hbm>>)
    %dma_wait3A_47 = tpu.memref_slice %arg4[%add3A_18] : memref<1048576xf32, #tpu.memory_space<hbm>> -> memref<4096xf32, #tpu.memory_space<hbm>>
    %dma_wait3A_48 = tpu.memref_slice %arg4[%add3A_18] : memref<1048576xf32, #tpu.memory_space<hbm>> -> memref<4096xf32, #tpu.memory_space<hbm>>
    tpu.wait_dma2 semaphore(%arg13 : memref<!tpu.dma_semaphore, #tpu.memory_space<semaphore_mem>>) src(%arg5 : memref<4096xf32, #tpu.memory_space<vmem>>) dst(%dma_wait3A_48 : memref<4096xf32, #tpu.memory_space<hbm>>)
    %dma_wait3A_49 = tpu.memref_slice %arg4[%add3A_20] : memref<1048576xf32, #tpu.memory_space<hbm>> -> memref<4096xf32, #tpu.memory_space<hbm>>
    %dma_wait3A_50 = tpu.memref_slice %arg4[%add3A_20] : memref<1048576xf32, #tpu.memory_space<hbm>> -> memref<4096xf32, #tpu.memory_space<hbm>>
    tpu.wait_dma2 semaphore(%arg13 : memref<!tpu.dma_semaphore, #tpu.memory_space<semaphore_mem>>) src(%arg5 : memref<4096xf32, #tpu.memory_space<vmem>>) dst(%dma_wait3A_50 : memref<4096xf32, #tpu.memory_space<hbm>>)
    %dma_wait3A_51 = tpu.memref_slice %arg4[%add3A_22] : memref<1048576xf32, #tpu.memory_space<hbm>> -> memref<4096xf32, #tpu.memory_space<hbm>>
    %dma_wait3A_52 = tpu.memref_slice %arg4[%add3A_22] : memref<1048576xf32, #tpu.memory_space<hbm>> -> memref<4096xf32, #tpu.memory_space<hbm>>
    tpu.wait_dma2 semaphore(%arg13 : memref<!tpu.dma_semaphore, #tpu.memory_space<semaphore_mem>>) src(%arg5 : memref<4096xf32, #tpu.memory_space<vmem>>) dst(%dma_wait3A_52 : memref<4096xf32, #tpu.memory_space<hbm>>)
    %dma_wait3A_53 = tpu.memref_slice %arg4[%add3A_24] : memref<1048576xf32, #tpu.memory_space<hbm>> -> memref<4096xf32, #tpu.memory_space<hbm>>
    %dma_wait3A_54 = tpu.memref_slice %arg4[%add3A_24] : memref<1048576xf32, #tpu.memory_space<hbm>> -> memref<4096xf32, #tpu.memory_space<hbm>>
    tpu.wait_dma2 semaphore(%arg13 : memref<!tpu.dma_semaphore, #tpu.memory_space<semaphore_mem>>) src(%arg5 : memref<4096xf32, #tpu.memory_space<vmem>>) dst(%dma_wait3A_54 : memref<4096xf32, #tpu.memory_space<hbm>>)
    %eq3A = arith.constant 0 : i32
    %eq3A_55 = arith.cmpi eq, %add3A, %eq3A : i32
    %convert_element_type3A = arith.extui %eq3A_55 : i1 to i32
    %cond3A = arith.constant 0 : i32
    %cond3A_56 = arith.cmpi ne, %convert_element_type3A, %cond3A : i32
    scf.if %cond3A_56 {
      %iota3A = tpu.iota {dimensions = array<i32: 0>} : vector<16xi32>
      %broadcast_in_dim3A_57 = arith.constant 1 : i32
      %broadcast_in_dim3A_58 = vector.broadcast %broadcast_in_dim3A_57 : i32 to vector<16xi32>
      %eq3A_59 = arith.constant 0 : i32
      %eq3A_60 = vector.broadcast %eq3A_59 : i32 to vector<16xi32>
      %eq3A_61 = arith.cmpi eq, %iota3A, %eq3A_60 : vector<16xi32>
      %mul3A_62 = arith.constant 19 : i32
      %mul3A_63 = vector.broadcast %mul3A_62 : i32 to vector<16xi32>
      %mul3A_64 = arith.muli %mul3A_63, %broadcast_in_dim3A_58 : vector<16xi32>
      %eq3A_65 = arith.constant 1 : i32
      %eq3A_66 = vector.broadcast %eq3A_65 : i32 to vector<16xi32>
      %eq3A_67 = arith.cmpi eq, %iota3A, %eq3A_66 : vector<16xi32>
      %mul3A_68 = arith.constant 18 : i32
      %mul3A_69 = vector.broadcast %mul3A_68 : i32 to vector<16xi32>
      %mul3A_70 = arith.muli %mul3A_69, %broadcast_in_dim3A_58 : vector<16xi32>
      %mul3A_71 = arith.constant 0 : i32
      %mul3A_72 = vector.broadcast %mul3A_71 : i32 to vector<16xi32>
      %mul3A_73 = arith.muli %mul3A_72, %broadcast_in_dim3A_58 : vector<16xi32>
      %select_n3A = arith.select %eq3A_67, %mul3A_70, %mul3A_73 : vector<16xi1>, vector<16xi32>
      %select_n3A_74 = arith.select %eq3A_61, %mul3A_64, %select_n3A : vector<16xi1>, vector<16xi32>
      %swap3A = arith.constant 0 : index
      %swap3A_75 = tpu.vector_load %arg6[%swap3A] {strides = array<i32>} : memref<16xi32, #tpu.memory_space<vmem>>, vector<16xi32>,
      %swap3A_76 = vector.shape_cast %swap3A_75 : vector<16xi32> to vector<16xi32>
      %swap3A_77 = vector.shape_cast %select_n3A_74 : vector<16xi32> to vector<16xi32>
      tpu.vector_store %arg6[%swap3A], %swap3A_77 {strides = array<i32>} : memref<16xi32, #tpu.memory_space<vmem>>, vector<16xi32>,
      %dma_start3A_78 = arith.constant 0 : i32
      %dma_start3A_79 = tpu.memref_slice %arg3[%dma_start3A_78] : memref<21xf32, #tpu.memory_space<hbm>> -> memref<21xf32, #tpu.memory_space<hbm>>
      tpu.enqueue_indirect_dma source(%dma_start3A_79 : memref<21xf32, #tpu.memory_space<hbm>>) target(%arg7 : memref<16xf32, #tpu.memory_space<vmem>>) offsets(%arg6 : memref<16xi32, #tpu.memory_space<vmem>>) semaphore(%arg13 : memref<!tpu.dma_semaphore, #tpu.memory_space<semaphore_mem>>)
      %dma_wait3A_80 = arith.constant 0 : i32
      %dma_wait3A_81 = tpu.memref_slice %arg3[%dma_wait3A_80] : memref<21xf32, #tpu.memory_space<hbm>> -> memref<21xf32, #tpu.memory_space<hbm>>
      tpu.wait_indirect_dma semaphore(%arg13 : memref<!tpu.dma_semaphore, #tpu.memory_space<semaphore_mem>>) src(%dma_wait3A_81 : memref<21xf32, #tpu.memory_space<hbm>>) dst(%arg7 : memref<16xf32, #tpu.memory_space<vmem>>)
      %eq3A_82 = arith.constant 0 : i32
      %eq3A_83 = vector.broadcast %eq3A_82 : i32 to vector<16xi32>
      %eq3A_84 = arith.cmpi eq, %iota3A, %eq3A_83 : vector<16xi32>
      %mul3A_85 = arith.constant 17 : i32
      %mul3A_86 = vector.broadcast %mul3A_85 : i32 to vector<16xi32>
      %mul3A_87 = arith.muli %mul3A_86, %broadcast_in_dim3A_58 : vector<16xi32>
      %eq3A_88 = arith.constant 1 : i32
      %eq3A_89 = vector.broadcast %eq3A_88 : i32 to vector<16xi32>
      %eq3A_90 = arith.cmpi eq, %iota3A, %eq3A_89 : vector<16xi32>
      %mul3A_91 = arith.constant 19 : i32
      %mul3A_92 = vector.broadcast %mul3A_91 : i32 to vector<16xi32>
      %mul3A_93 = arith.muli %mul3A_92, %broadcast_in_dim3A_58 : vector<16xi32>
      %select_n3A_94 = arith.select %eq3A_90, %mul3A_93, %broadcast_in_dim3A_58 : vector<16xi1>, vector<16xi32>
      %select_n3A_95 = arith.select %eq3A_84, %mul3A_87, %select_n3A_94 : vector<16xi1>, vector<16xi32>
      %swap3A_96 = arith.constant 0 : index
      %swap3A_97 = tpu.vector_load %arg6[%swap3A_96] {strides = array<i32>} : memref<16xi32, #tpu.memory_space<vmem>>, vector<16xi32>,
      %swap3A_98 = vector.shape_cast %swap3A_97 : vector<16xi32> to vector<16xi32>
      %swap3A_99 = vector.shape_cast %select_n3A_95 : vector<16xi32> to vector<16xi32>
      tpu.vector_store %arg6[%swap3A_96], %swap3A_99 {strides = array<i32>} : memref<16xi32, #tpu.memory_space<vmem>>, vector<16xi32>,
      %dma_start3A_100 = arith.constant 0 : i32
      %dma_start3A_101 = tpu.memref_slice %arg3[%dma_start3A_100] : memref<21xf32, #tpu.memory_space<hbm>> -> memref<21xf32, #tpu.memory_space<hbm>>
      tpu.enqueue_indirect_dma source(%dma_start3A_101 : memref<21xf32, #tpu.memory_space<hbm>>) target(%arg8 : memref<16xf32, #tpu.memory_space<vmem>>) offsets(%arg6 : memref<16xi32, #tpu.memory_space<vmem>>) semaphore(%arg13 : memref<!tpu.dma_semaphore, #tpu.memory_space<semaphore_mem>>)
      %dma_wait3A_102 = arith.constant 0 : i32
      %dma_wait3A_103 = tpu.memref_slice %arg3[%dma_wait3A_102] : memref<21xf32, #tpu.memory_space<hbm>> -> memref<21xf32, #tpu.memory_space<hbm>>
      tpu.wait_indirect_dma semaphore(%arg13 : memref<!tpu.dma_semaphore, #tpu.memory_space<semaphore_mem>>) src(%dma_wait3A_103 : memref<21xf32, #tpu.memory_space<hbm>>) dst(%arg8 : memref<16xf32, #tpu.memory_space<vmem>>)
      %mul3A_104 = arith.constant 3 : i32
      %mul3A_105 = vector.broadcast %mul3A_104 : i32 to vector<16xi32>
      %mul3A_106 = arith.muli %mul3A_105, %broadcast_in_dim3A_58 : vector<16xi32>
      %swap3A_107 = arith.constant 0 : index
      %swap3A_108 = tpu.vector_load %arg6[%swap3A_107] {strides = array<i32>} : memref<16xi32, #tpu.memory_space<vmem>>, vector<16xi32>,
      %swap3A_109 = vector.shape_cast %swap3A_108 : vector<16xi32> to vector<16xi32>
      %swap3A_110 = vector.shape_cast %mul3A_106 : vector<16xi32> to vector<16xi32>
      tpu.vector_store %arg6[%swap3A_107], %swap3A_110 {strides = array<i32>} : memref<16xi32, #tpu.memory_space<vmem>>, vector<16xi32>,
      %dma_start3A_111 = arith.constant 0 : i32
      %dma_start3A_112 = tpu.memref_slice %arg2[%dma_start3A_111] : memref<1048576xf32, #tpu.memory_space<hbm>> -> memref<1048576xf32, #tpu.memory_space<hbm>>
      tpu.enqueue_indirect_dma source(%dma_start3A_112 : memref<1048576xf32, #tpu.memory_space<hbm>>) target(%arg9 : memref<16xf32, #tpu.memory_space<vmem>>) offsets(%arg6 : memref<16xi32, #tpu.memory_space<vmem>>) semaphore(%arg13 : memref<!tpu.dma_semaphore, #tpu.memory_space<semaphore_mem>>)
      %dma_wait3A_113 = arith.constant 0 : i32
      %dma_wait3A_114 = tpu.memref_slice %arg2[%dma_wait3A_113] : memref<1048576xf32, #tpu.memory_space<hbm>> -> memref<1048576xf32, #tpu.memory_space<hbm>>
      tpu.wait_indirect_dma semaphore(%arg13 : memref<!tpu.dma_semaphore, #tpu.memory_space<semaphore_mem>>) src(%dma_wait3A_114 : memref<1048576xf32, #tpu.memory_space<hbm>>) dst(%arg9 : memref<16xf32, #tpu.memory_space<vmem>>)
      %swap3A_115 = arith.constant 0 : index
      %swap3A_116 = tpu.vector_load %arg6[%swap3A_115] {strides = array<i32>} : memref<16xi32, #tpu.memory_space<vmem>>, vector<16xi32>,
      %swap3A_117 = vector.shape_cast %swap3A_116 : vector<16xi32> to vector<16xi32>
      %swap3A_118 = vector.shape_cast %broadcast_in_dim3A_58 : vector<16xi32> to vector<16xi32>
      tpu.vector_store %arg6[%swap3A_115], %swap3A_118 {strides = array<i32>} : memref<16xi32, #tpu.memory_space<vmem>>, vector<16xi32>,
      %dma_start3A_119 = arith.constant 0 : i32
      %dma_start3A_120 = tpu.memref_slice %arg2[%dma_start3A_119] : memref<1048576xf32, #tpu.memory_space<hbm>> -> memref<1048576xf32, #tpu.memory_space<hbm>>
      tpu.enqueue_indirect_dma source(%dma_start3A_120 : memref<1048576xf32, #tpu.memory_space<hbm>>) target(%arg10 : memref<16xf32, #tpu.memory_space<vmem>>) offsets(%arg6 : memref<16xi32, #tpu.memory_space<vmem>>) semaphore(%arg13 : memref<!tpu.dma_semaphore, #tpu.memory_space<semaphore_mem>>)
      %dma_wait3A_121 = arith.constant 0 : i32
      %dma_wait3A_122 = tpu.memref_slice %arg2[%dma_wait3A_121] : memref<1048576xf32, #tpu.memory_space<hbm>> -> memref<1048576xf32, #tpu.memory_space<hbm>>
      tpu.wait_indirect_dma semaphore(%arg13 : memref<!tpu.dma_semaphore, #tpu.memory_space<semaphore_mem>>) src(%dma_wait3A_122 : memref<1048576xf32, #tpu.memory_space<hbm>>) dst(%arg10 : memref<16xf32, #tpu.memory_space<vmem>>)
      %mul3A_123 = arith.constant 2 : i32
      %mul3A_124 = vector.broadcast %mul3A_123 : i32 to vector<16xi32>
      %mul3A_125 = arith.muli %mul3A_124, %broadcast_in_dim3A_58 : vector<16xi32>
      %swap3A_126 = arith.constant 0 : index
      %swap3A_127 = tpu.vector_load %arg6[%swap3A_126] {strides = array<i32>} : memref<16xi32, #tpu.memory_space<vmem>>, vector<16xi32>,
      %swap3A_128 = vector.shape_cast %swap3A_127 : vector<16xi32> to vector<16xi32>
      %swap3A_129 = vector.shape_cast %mul3A_125 : vector<16xi32> to vector<16xi32>
      tpu.vector_store %arg6[%swap3A_126], %swap3A_129 {strides = array<i32>} : memref<16xi32, #tpu.memory_space<vmem>>, vector<16xi32>,
      %dma_start3A_130 = arith.constant 0 : i32
      %dma_start3A_131 = tpu.memref_slice %arg2[%dma_start3A_130] : memref<1048576xf32, #tpu.memory_space<hbm>> -> memref<1048576xf32, #tpu.memory_space<hbm>>
      tpu.enqueue_indirect_dma source(%dma_start3A_131 : memref<1048576xf32, #tpu.memory_space<hbm>>) target(%arg11 : memref<16xf32, #tpu.memory_space<vmem>>) offsets(%arg6 : memref<16xi32, #tpu.memory_space<vmem>>) semaphore(%arg13 : memref<!tpu.dma_semaphore, #tpu.memory_space<semaphore_mem>>)
      %dma_wait3A_132 = arith.constant 0 : i32
      %dma_wait3A_133 = tpu.memref_slice %arg2[%dma_wait3A_132] : memref<1048576xf32, #tpu.memory_space<hbm>> -> memref<1048576xf32, #tpu.memory_space<hbm>>
      tpu.wait_indirect_dma semaphore(%arg13 : memref<!tpu.dma_semaphore, #tpu.memory_space<semaphore_mem>>) src(%dma_wait3A_133 : memref<1048576xf32, #tpu.memory_space<hbm>>) dst(%arg11 : memref<16xf32, #tpu.memory_space<vmem>>)
      %get3A = arith.constant 0 : index
      %get3A_134 = tpu.vector_load %arg7[%get3A] {strides = array<i32>} : memref<16xf32, #tpu.memory_space<vmem>>, vector<16xf32>,
      %get3A_135 = vector.shape_cast %get3A_134 : vector<16xf32> to vector<16xf32>
      %get3A_136 = arith.constant 0 : index
      %get3A_137 = tpu.vector_load %arg8[%get3A_136] {strides = array<i32>} : memref<16xf32, #tpu.memory_space<vmem>>, vector<16xf32>,
      %get3A_138 = vector.shape_cast %get3A_137 : vector<16xf32> to vector<16xf32>
      %mul3A_139 = arith.mulf %get3A_135, %get3A_138 : vector<16xf32>
      %get3A_140 = arith.constant 0 : index
      %get3A_141 = tpu.vector_load %arg7[%get3A_140] {strides = array<i32>} : memref<16xf32, #tpu.memory_space<vmem>>, vector<16xf32>,
      %get3A_142 = vector.shape_cast %get3A_141 : vector<16xf32> to vector<16xf32>
      %get3A_143 = arith.constant 0 : index
      %get3A_144 = tpu.vector_load %arg8[%get3A_143] {strides = array<i32>} : memref<16xf32, #tpu.memory_space<vmem>>, vector<16xf32>,
      %get3A_145 = vector.shape_cast %get3A_144 : vector<16xf32> to vector<16xf32>
      %div3A = arith.divf %get3A_142, %get3A_145 : vector<16xf32>
      %get3A_146 = arith.constant 0 : index
      %get3A_147 = tpu.vector_load %arg9[%get3A_146] {strides = array<i32>} : memref<16xf32, #tpu.memory_space<vmem>>, vector<16xf32>,
      %get3A_148 = vector.shape_cast %get3A_147 : vector<16xf32> to vector<16xf32>
      %get3A_149 = arith.constant 0 : index
      %get3A_150 = tpu.vector_load %arg10[%get3A_149] {strides = array<i32>} : memref<16xf32, #tpu.memory_space<vmem>>, vector<16xf32>,
      %get3A_151 = vector.shape_cast %get3A_150 : vector<16xf32> to vector<16xf32>
      %add3A_152 = arith.addf %get3A_148, %get3A_151 : vector<16xf32>
      %get3A_153 = arith.constant 0 : index
      %get3A_154 = tpu.vector_load %arg11[%get3A_153] {strides = array<i32>} : memref<16xf32, #tpu.memory_space<vmem>>, vector<16xf32>,
      %get3A_155 = vector.shape_cast %get3A_154 : vector<16xf32> to vector<16xf32>
      %mul3A_156 = arith.constant 2.000000e+00 : f32
      %mul3A_157 = vector.broadcast %mul3A_156 : f32 to vector<16xf32>
      %mul3A_158 = arith.mulf %mul3A_157, %get3A_155 : vector<16xf32>
      %add3A_159 = arith.addf %add3A_152, %mul3A_158 : vector<16xf32>
      %broadcast_in_dim3A_160 = arith.constant 0.000000e+00 : f32
      %broadcast_in_dim3A_161 = vector.broadcast %broadcast_in_dim3A_160 : f32 to vector<16xf32>
      %eq3A_162 = arith.constant 0 : i32
      %eq3A_163 = vector.broadcast %eq3A_162 : i32 to vector<16xi32>
      %eq3A_164 = arith.cmpi eq, %iota3A, %eq3A_163 : vector<16xi32>
      %eq3A_165 = arith.constant 1 : i32
      %eq3A_166 = vector.broadcast %eq3A_165 : i32 to vector<16xi32>
      %eq3A_167 = arith.cmpi eq, %iota3A, %eq3A_166 : vector<16xi32>
      %eq3A_168 = arith.constant 2 : i32
      %eq3A_169 = vector.broadcast %eq3A_168 : i32 to vector<16xi32>
      %eq3A_170 = arith.cmpi eq, %iota3A, %eq3A_169 : vector<16xi32>
      %select_n3A_171 = arith.select %eq3A_170, %add3A_159, %broadcast_in_dim3A_161 : vector<16xi1>, vector<16xf32>
      %select_n3A_172 = arith.select %eq3A_167, %div3A, %select_n3A_171 : vector<16xi1>, vector<16xf32>
      %select_n3A_173 = arith.select %eq3A_164, %mul3A_139, %select_n3A_172 : vector<16xi1>, vector<16xf32>
      %swap3A_174 = arith.constant 0 : index
      %swap3A_175 = tpu.vector_load %arg12[%swap3A_174] {strides = array<i32>} : memref<16xf32, #tpu.memory_space<vmem>>, vector<16xf32>,
      %swap3A_176 = vector.shape_cast %swap3A_175 : vector<16xf32> to vector<16xf32>
      %swap3A_177 = vector.shape_cast %select_n3A_173 : vector<16xf32> to vector<16xf32>
      tpu.vector_store %arg12[%swap3A_174], %swap3A_177 {strides = array<i32>} : memref<16xf32, #tpu.memory_space<vmem>>, vector<16xf32>,
      %dma_start3A_178 = arith.constant 0 : i32
      %dma_start3A_179 = tpu.memref_slice %arg4[%dma_start3A_178] : memref<1048576xf32, #tpu.memory_space<hbm>> -> memref<16xf32, #tpu.memory_space<hbm>>
      %dma_start3A_180 = arith.constant 0 : i32
      %dma_start3A_181 = tpu.memref_slice %arg4[%dma_start3A_180] : memref<1048576xf32, #tpu.memory_space<hbm>> -> memref<16xf32, #tpu.memory_space<hbm>>
      tpu.enqueue_dma source(%arg12 : memref<16xf32, #tpu.memory_space<vmem>>) target(%dma_start3A_181 : memref<16xf32, #tpu.memory_space<hbm>>) target_semaphore(%arg13 : memref<!tpu.dma_semaphore, #tpu.memory_space<semaphore_mem>>)
      %dma_wait3A_182 = arith.constant 0 : i32
      %dma_wait3A_183 = tpu.memref_slice %arg4[%dma_wait3A_182] : memref<1048576xf32, #tpu.memory_space<hbm>> -> memref<16xf32, #tpu.memory_space<hbm>>
      %dma_wait3A_184 = arith.constant 0 : i32
      %dma_wait3A_185 = tpu.memref_slice %arg4[%dma_wait3A_184] : memref<1048576xf32, #tpu.memory_space<hbm>> -> memref<16xf32, #tpu.memory_space<hbm>>
      tpu.wait_dma2 semaphore(%arg13 : memref<!tpu.dma_semaphore, #tpu.memory_space<semaphore_mem>>) src(%arg12 : memref<16xf32, #tpu.memory_space<vmem>>) dst(%dma_wait3A_185 : memref<16xf32, #tpu.memory_space<hbm>>)
    } else {
    }
    return
  }
}

</mosaic_0001>

<sc_bundles>
// kernel: kernel.3.cloned.1.call-start
scs
__scs_entry_jumppad:
0x0: {  	(pc) =	sbr.rel $0x88, $3  }
0x1: {  	(tag) =	ssettag $0x0;
	lr =	simm.s32 $0x1  }
0x2: {  	[smem:$0x3F9F] =	sst lr;
	_ =	strace $0xD0000000  }
0x3: {  	_ = 	snop  }
0x4: {  	_ = 	snop  }
0x5: {  	_ = 	snop  }
0x6: {  	_ = 	snop  }
0x7: {  	_ = 	snop  }
__scs_overlays_trampoline_lowered:
0x8: {  	[smem:$0x3FAE] =	sst s0  }
0x9: {  	[smem:$0x3FAF] =	sst s1  }
0xa: {  	[smem:$0x3FB0] =	sst s2  }
0xb: {  	[smem:$0x3FB1] =	sst s3  }
0xc: {  	[smem:$0x3FB2] =	sst s4  }
0xd: {  	[smem:$0x3FB3] =	sst s5  }
0xe: {  	[smem:$0x3FB4] =	sst s6  }
0xf: {  	[smem:$0x3FB5] =	sst s7  }
0x10: {  	[smem:$0x3FB6] =	sst s8  }
0x11: {  	[smem:$0x3FB7] =	sst s9;
	s0 =	simm.s32 @!p0 $0x0  }
0x12: {  	s1 =	sld [smem:$0x3F9D];
	s0 =	simm.s32 @p0 $0x1  }
0x13: {  	[smem:$0x3FB8] =	sst s0;
	s0 =	simm.s32 @!p1 $0x0  }
0x14: {  	s2 =	sld [smem:$0x3F9C];
	s0 =	simm.s32 @p1 $0x1  }
0x15: {  	[smem:$0x3FB9] =	sst s0;
	s0 =	simm.s32 @!p2 $0x0  }
0x16: {  	s3 =	sld [smem:$0x3FDB];
	s0 =	simm.s32 @p2 $0x1  }
0x17: {  	s4 =	simm.s32 $0x1BF5;
	[smem:$0x3FBB] =	sst s0  }
0x18: {  	s0 =	sld [smem:$0x3F9E];
	_ =	swait.ge [sflag:s4], $0x0  }
0x19: {  	s7 =	sld [smem:$0x3F9F]  }
0x1a: {  	s8 =	sadd.s32 $0xFFFFE003, lr  }
0x1b: {  	s9 =	sadd.s32 $0xFFFFFEF7, lr;
	s5 =	simm.s32 $0xFFFFFFFF;
	p2 =	slt.u32 s8, $0xFFFFF086  }
0x1c: {  	p1 =	slt.u32 s9, $0xF7A;
	s5 =	simm.s32 @!p2 $0x0  }
0x1d: {  	s5 =	simm.s32 @p1 $0x1;
	p0 =	seq.s32 s7, s2  }
0x1e: {  	s7 =	smul.u32 @!p0 $0xF7A, s2;
	p2 =	seq.s32 @!p0 s5, $0x0  }
0x1f: {  	s9 =	smul.u32 $0xF7A, s1;
	s8 =	simm.s32 @!p0 $0x1BF5;
	p2 =	por !p2, p0  }
0x20: {  	[sflag:s8] =	ssyncset.s32 @!p0 $0xFFFFF086;
	s6 =	sadd.s32 @!p0 s3, s7;
	s7 =	simm.s32 @!p0 $0x108  }
0x21: {  	s3 =	sadd.s32 s3, s9;
	s6 =	sadd.s32 @!p0 $0x88, s6;
	s7 =	simm.s32 @p2 $0x1082  }
0x22: {  	[simem:s7], [sflag:s8] =	dma.local @!p0 [hbm:s6], $0xF7A  }
0x23: {  	s9 =	sor.u32 $0xD0000000, s2;
	s6 =	simm.s32 $0x108;
	_ =	swait.ge @!p0 [sflag:s8], $0x0  }
0x24: {  	s3 =	sadd.s32 $0x88, s3;
	s6 =	simm.s32 @!p1 $0x1082;
	[sflag:s4] =	ssyncset.s32 $0xFFFFF086  }
0x25: {  	[simem:s6], [sflag:s4] =	dma.local [hbm:s3], $0xF7A  }
0x26: {  	[smem:$0x3F9F] =	sst s1;
	(tag) =	ssettag s2;
	_ =	strace s9  }
0x27: {  	s1 =	sld [smem:$0x3FAF]  }
0x28: {  	s2 =	sld [smem:$0x3FB0]  }
0x29: {  	s4 =	sld [smem:$0x3FB2]  }
0x2a: {  	p0 =	seq.s32 s5, $0x0;
	s5 =	sld [smem:$0x3FB3]  }
0x2b: {  	s6 =	sld [smem:$0x3FB4]  }
0x2c: {  	s7 =	sld [smem:$0x3FB5]  }
0x2d: {  	s3 =	simm.s32 $0x108;
	s8 =	sld [smem:$0x3FB6]  }
0x2e: {  	s3 =	simm.s32 @!p0 $0x1082;
	s9 =	sld [smem:$0x3FB7]  }
0x2f: {  	lr =	sadd.s32 s0, s3;
	s0 =	sld [smem:$0x3FAE]  }
0x30: {  	s3 =	sld [smem:$0x3FB1]  }
0x31: {  	[smem:$0x3FBA] =	sst s10  }
0x32: {  	s10 =	sld [smem:$0x3FB8];
	_ =	sdelay $0x3  }
0x33: {  	p0 =	seq.s32 s10, $0x1;
	s10 =	sld [smem:$0x3FBA];
	_ =	sdelay $0x3  }
0x34: {  	[smem:$0x3FBA] =	sst s10  }
0x35: {  	s10 =	sld [smem:$0x3FB9];
	_ =	sdelay $0x3  }
0x36: {  	p1 =	seq.s32 s10, $0x1;
	s10 =	sld [smem:$0x3FBA];
	_ =	sdelay $0x3  }
0x37: {  	[smem:$0x3FBA] =	sst s10  }
0x38: {  	s10 =	sld [smem:$0x3FBB]  }
0x39: {  	_ = 	snop;
	(pc) =	sbr.ind lr, $3  }
0x3a: {  	_ = 	snop  }
0x3b: {  	_ = 	snop  }
0x3c: {  	p2 =	seq.s32 s10, $0x1;
	s10 =	sld [smem:$0x3FBA]  }
0x3d: {  	_ =	shalt  }
0x3e: {  	_ =	shalt  }
0x3f: {  	_ =	shalt  }
0x40: {  	_ =	shalt  }
0x41: {  	_ =	shalt  }
0x42: {  	_ =	shalt  }
0x43: {  	_ =	shalt  }
0x44: {  	_ =	shalt  }
0x45: {  	_ =	shalt  }
0x46: {  	_ =	shalt  }
0x47: {  	_ =	shalt  }
0x48: {  	_ =	shalt  }
0x49: {  	_ =	shalt  }
0x4a: {  	_ =	shalt  }
0x4b: {  	_ =	shalt  }
0x4c: {  	_ =	shalt  }
0x4d: {  	_ =	shalt  }
0x4e: {  	_ =	shalt  }
0x4f: {  	_ =	shalt  }
0x50: {  	_ =	shalt  }
0x51: {  	_ =	shalt  }
0x52: {  	_ =	shalt  }
0x53: {  	_ =	shalt  }
0x54: {  	_ =	shalt  }
0x55: {  	_ =	shalt  }
0x56: {  	_ =	shalt  }
0x57: {  	_ =	shalt  }
0x58: {  	_ =	shalt  }
0x59: {  	_ =	shalt  }
0x5a: {  	_ =	shalt  }
0x5b: {  	_ =	shalt  }
0x5c: {  	_ =	shalt  }
0x5d: {  	_ =	shalt  }
0x5e: {  	_ =	shalt  }
0x5f: {  	_ =	shalt  }
0x60: {  	_ =	shalt  }
0x61: {  	_ =	shalt  }
0x62: {  	_ =	shalt  }
0x63: {  	_ =	shalt  }
0x64: {  	_ =	shalt  }
0x65: {  	_ =	shalt  }
0x66: {  	_ =	shalt  }
0x67: {  	_ =	shalt  }
0x68: {  	_ =	shalt  }
0x69: {  	_ =	shalt  }
0x6a: {  	_ =	shalt  }
0x6b: {  	_ =	shalt  }
0x6c: {  	_ =	shalt  }
0x6d: {  	_ =	shalt  }
0x6e: {  	_ =	shalt  }
0x6f: {  	_ =	shalt  }
0x70: {  	_ =	shalt  }
0x71: {  	_ =	shalt  }
0x72: {  	_ =	shalt  }
0x73: {  	_ =	shalt  }
0x74: {  	_ =	shalt  }
0x75: {  	_ =	shalt  }
0x76: {  	_ =	shalt  }
0x77: {  	_ =	shalt  }
0x78: {  	_ =	shalt  }
0x79: {  	_ =	shalt  }
0x7a: {  	_ =	shalt  }
0x7b: {  	_ =	shalt  }
0x7c: {  	_ =	shalt  }
0x7d: {  	_ =	shalt  }
0x7e: {  	_ =	shalt  }
0x7f: {  	_ =	shalt  }
0x80: {  	_ =	shalt  }
0x81: {  	_ =	shalt  }
0x82: {  	_ =	shalt  }
0x83: {  	_ =	shalt  }
0x84: {  	_ =	shalt  }
0x85: {  	_ =	shalt  }
0x86: {  	_ =	shalt  }
0x87: {  	_ =	shalt  }
.Lfunc_end0:
.L_simem_size_0:
called_computation_lowered:
.L_overlay_start_0:
0x88: {  	s2 =	sld [smem:$0x3FD9]  }
0x89: {  	s3 =	sld [smem:$0x3FFE];
	_ =	sdelay $0x1  }
0x8a: {  	s1 =	srdreg.scid  }
0x8b: {  	s0 =	sand.u32 $0x1, s1  }
0x8c: {  	s18 =	sshll.u32 s0, $0xA;
	s2 =	sadd.s32 s3, s2  }
0x8d: {  	s2 =	sadd.s32 s2, s18  }
0x8e: {  	[smem:$0x3FC6] =	sst s2  }
0x8f: {  	_ = 	snop  }
0x90: {  	s2 =	sld [smem:$0x3FC9]  }
0x91: {  	s19 =	sld [smem:$0x3FC8]  }
0x92: {  	s4 =	sld [smem:$0x3FD0];
	(tm) =	ssettm $0x1  }
0x93: {  	s5 =	sld [smem:$0x3FFB];
	_ =	sdelay $0x3  }
0x94: {  	_ =	strace s5  }
0x95: {  	s5 =	sld [smem:$0x3FFC];
	_ =	sdelay $0x3  }
0x96: {  	_ =	strace s5  }
0x97: {  	s5 =	sld [smem:$0x3FFD];
	_ =	sdelay $0x3  }
0x98: {  	_ =	strace s5  }
0x99: {  	_ =	strace $0x8FFFFFFF  }
0x9a: {  	s20 =	sld [smem:$0x3FDB];
	_ =	sdelay $0x1  }
0x9b: {  	s6 =	simm.s32 $_scs_section_size  }
0x9c: {  	s7 =	simm.s32 $_size__tile_overlayer_lowered;
	s8 =	simm.s32 $_tile_overlayer_lowered  }
0x9d: {  	s23 =	simm.s32 $0x1BFF;
	s22 =	sshll.u32 s8, $0x1;
	s5 =	sadd.s32 s6, s20  }
0x9e: {  	s9 =	simm.s32 $0x0;
	s21 =	sshll.u32 s7, $0x1;
	s7 =	sadd.s32 s22, s5  }
0x9f: {  	[timem:s9], [sflag:s23] =	dma.local [hbm:s7], s21  }
0xa0: {  	_ =	swait.ge [sflag:s23], s21  }
0xa1: {  	s6 =	ssub.s32 $0x0, s21;
	[sflag:s23] =	ssyncset.done $0x0  }
0xa2: {  	[sflag:s23] =	ssyncadd.s32 s6;
	_ =	sdelay $0x1  }
0xa3: {  	s24 =	simm.s32 $0x1B8B  }
0xa4: {  	_ =	swait.ge [sflag:s24], $0x1  }
0xa5: {  	[sflag:s24] =	ssyncset.done $0x0  }
0xa6: {  	s25 =	simm.s32 $0x1B8E;
	[sflag:s24] =	ssyncadd.s32 $0xFFFFFFFF  }
0xa7: {  	s26 =	simm.s32 $execute0_lowered;
	[smem:$0x3FD2] =	sst s25  }
0xa8: {  	s6 =	sshll.u32 s26, $0x1;
	_ =	strace $0x80000046;
	[dreg:$0x1] =	wrdreg $0xFFFFFFFF  }
0xa9: {  	s28 =	simm.s32 $_size_execute0_lowered;
	s5 =	sadd.s32 s5, s6;
	[dreg:$0x0] =	wrdreg $0x0  }
0xaa: {  	s6 =	sshll.u32 s28, $0x1;
	[dreg:$0x2] =	wrdreg s5  }
0xab: {  	[dreg:$0x3] =	wrdreg s6  }
0xac: {  	[dreg:$0x4] =	wrdreg $0xC0  }
0xad: {  	_ =	task [dreg:s9], $0x5FFFF  }
0xae: {  	[dreg:$0x1] =	wrdreg $0xFFFFFFFF  }
0xaf: {  	[dreg:$0x0] =	wrdreg $0x60  }
0xb0: {  	[dreg:$0x2] =	wrdreg s2  }
0xb1: {  	[dreg:$0x3] =	wrdreg s19  }
0xb2: {  	[dreg:$0x4] =	wrdreg s4  }
0xb3: {  	[dreg:$0x5] =	wrdreg $0x9  }
0xb4: {  	_ =	task.clear_ibuf [dreg:s9], $0x6FFFF;
	_ =	strace $0x90000046  }
0xb5: {  	s29 =	simm.s32 $0x9;
	_ =	strace $0x80000048  }
0xb6: {  	_ =	swait.ge [sflag:s29], $0x1  }
0xb7: {  	[sflag:s29] =	ssyncadd.s32 $0xFFFFFFFF  }
0xb8: {  	_ =	strace $0x90000048  }
0xb9: {  	_ =	sfence  }
0xba: {  	s30 =	sld [smem:$0x0];
	_ =	sdelay $0x2  }
0xbb: {  	s31 =	sshll.u32 s1, $0xD;
	s1 =	sshrl.u32 s1, $0x2  }
0xbc: {  	s3 =	sand.u32 $0x4000, s31;
	s1 =	sadd.s32 s1, s30  }
0xbd: {  	s0 =	sor.u32 s3, s0;
	s1 =	sshll.u32 s1, $0x11  }
0xbe: {  	s0 =	sor.u32 s1, s0  }
0xbf: {  	s0 =	sadd.s32 $0x8F2B, s0  }
0xc0: {  	[sflag:s0] =	ssyncadd.remote.s32 $0x1  }
0xc1: {  	_ =	sfence.sel $0xFFFF  }
0xc2: {  	[dreg:$0x0] =	wrdreg $0xFFFFFFFF;
	(pc) =	sbr.abs _section_cstart, $3  }
0xc3: {  	[dreg:$0x1] =	wrdreg $0xFFFFFFFF  }
0xc4: {  	_ =	task.clear_ibuf [dreg:s9], $0x2FFFF;
	_ =	strace $0x9FFFFFFF  }
0xc5: {  	(tm) =	ssettm $0x7FFFFFFF  }
tec
execute0_lowered:
.L_overlay_start_1:
0x0: {  	(tag) =	ssettag $0x1  }
0x1: {  	s1 =	rddreg [dreg:$0x0]  }
0x2: {  	s3 =	rddreg [dreg:$0x1];
	s2 =	srdreg.scid  }
0x3: {  	s0 =	stileid.u32;
	s4 =	rddreg [dreg:$0x2];
	s16 =	simm.s32 $0x10  }
0x4: {  	s17 =	simm.s32 $0x1000;
	s18 =	simm.s32 $0x1080;
	s19 =	simm.s32 $0x1100  }
0x5: {  	s20 =	simm.s32 $0x1180;
	s21 =	simm.s32 $0x1200;
	s22 =	simm.s32 $0x1280  }
0x6: {  	s23 =	simm.s32 $0x1300;
	s6 =	sand.u32 $0x1, s2;
	s5 =	sshll.u32 s0, $0x1  }
0x7: {  	s24 =	simm.s32 $0x0;
	s2 =	rddreg [dreg:$0x3];
	s15 =	sor.u32 s6, s5  }
0x8: {  	s5 =	simm.s32 $0x0;
	s7 =	ssub.s32 $0x2, s6;
	s31 =	sshll.u32 s15, $0xC  }
0x9: {  	v0 =	vimm.s32 $0x1213;
	v1 =	vimm.s32 $0x1011311;
	[smem:$0x7FF] =	sst s5;
	s8 =	sshrl.u32 s7, $0x1;
	p0 =	sne.s32 s15, $0x0  }
0xa: {  	vm0 =	vcmask $0xF00;
	v4 =	vimm.s32 $0x1;
	v2 =	vunpack.c.0.s8.s32 v0;
	s15 =	simm.s32 $0x1;
	s6 =	sadd.s32 s4, s31;
	_ =	strace $0x80000047  }
0xb: {  	v5 =	vimm.s32 $0x2;
	vm1 =	vcmask $0x3F08;
	v3 =	vunpack.c.0.s8.s32 v1;
	s14 =	ssub.s32 s7, s8;
	s7 =	sadd.s32 $0x200, s6;
	s8 =	sadd.s32 $0x400, s6  }
0xc: {  	vm2 =	vmmov $0x1;
	v0 =	vimm.f32 $0.0e+00;
	v1 =	vnsel vm0, $0x0, v2;
	s9 =	sadd.s32 $0x600, s6;
	s10 =	sadd.s32 $0x800, s6;
	s11 =	sadd.s32 $0xA00, s6  }
0xd: {  	v2 =	vnsel vm0, $0x1, v3;
	v3 =	vimm.s32 $0x3;
	vm0 =	vcmask $0x3F0C;
	s12 =	sadd.s32 $0xC00, s6;
	s13 =	sadd.s32 $0xE00, s6;
	s14 =	smax.u32 s14, $0x1  }
.LBB2_1:
0xe: {  	s25 =	simm.s32 $0x0;
	s26 =	simm.s32 $0x200  }
.LBB2_2:
0xf: {  	p1 =	sne.s32 s26, $0x3E00;
	[tilespmem:s25+$0x70] =	vst v0  }
0x10: {  	[tilespmem:s25+$0x0] =	vst v0  }
0x11: {  	[tilespmem:s25+$0x10] =	vst v0  }
.Ltmp0:
0x12: {  	[tilespmem:s25+$0x20] =	vst v0;
	(pc) =	sbr.rel @p1 .LBB2_2-.Ltmp0, $4  }
0x13: {  	[tilespmem:s25+$0x30] =	vst v0  }
0x14: {  	[tilespmem:s25+$0x40] =	vst v0  }
0x15: {  	[tilespmem:s25+$0x50] =	vst v0  }
0x16: {  	[tilespmem:s25+$0x60] =	vst v0;
	s25 =	sshra.s32 s26, $0x2;
	s26 =	sadd.s32 $0x200, s26  }
0x17: {  	[tilespmem:s25+$0x70] =	vst v0  }
0x18: {  	[tilespmem:s25+$0x0] =	vst v0  }
0x19: {  	[tilespmem:s25+$0x10] =	vst v0  }
0x1a: {  	[tilespmem:s25+$0x20] =	vst v0  }
0x1b: {  	[tilespmem:s25+$0x30] =	vst v0  }
0x1c: {  	[tilespmem:s25+$0x40] =	vst v0  }
0x1d: {  	[tilespmem:s25+$0x50] =	vst v0  }
0x1e: {  	[tilespmem:s25+$0x60] =	vst v0  }
0x1f: {  	[hbm4b:s6+s5] =	stream.linear.scatter [tilespmem:s5], [sflag:$0x1], $0x1000, $0x38;
	[tilespmem:$0x1380] =	vst v63  }
0x20: {  	_ = 	snop  }
0x21: {  	[hbm4b:s7+s5] =	stream.linear.scatter [tilespmem:s5], [sflag:$0x1], $0x1000, $0x38;
	[tilespmem:$0x1380] =	vst v63  }
0x22: {  	_ = 	snop  }
0x23: {  	[hbm4b:s8+s5] =	stream.linear.scatter [tilespmem:s5], [sflag:$0x1], $0x1000, $0x38;
	[tilespmem:$0x1380] =	vst v63  }
0x24: {  	_ = 	snop  }
0x25: {  	[hbm4b:s9+s5] =	stream.linear.scatter [tilespmem:s5], [sflag:$0x1], $0x1000, $0x38;
	[tilespmem:$0x1380] =	vst v63  }
0x26: {  	_ = 	snop  }
0x27: {  	[hbm4b:s10+s5] =	stream.linear.scatter [tilespmem:s5], [sflag:$0x1], $0x1000, $0x38;
	[tilespmem:$0x1380] =	vst v63  }
0x28: {  	_ = 	snop  }
0x29: {  	[hbm4b:s11+s5] =	stream.linear.scatter [tilespmem:s5], [sflag:$0x1], $0x1000, $0x38;
	[tilespmem:$0x1380] =	vst v63  }
0x2a: {  	_ = 	snop  }
0x2b: {  	[hbm4b:s12+s5] =	stream.linear.scatter [tilespmem:s5], [sflag:$0x1], $0x1000, $0x38;
	[tilespmem:$0x1380] =	vst v63  }
0x2c: {  	_ = 	snop  }
0x2d: {  	[hbm4b:s13+s5] =	stream.linear.scatter [tilespmem:s5], [sflag:$0x1], $0x1000, $0x38;
	[tilespmem:$0x1380] =	vst v63  }
0x2e: {  	_ =	swait.ge [sflag:s15], $0x1000  }
0x2f: {  	[sflag:s15] =	ssyncset.done $0x0  }
0x30: {  	[sflag:s15] =	ssyncadd.s32 $0xFFFFF000  }
0x31: {  	_ =	swait.ge [sflag:s15], $0x1000  }
0x32: {  	[sflag:s15] =	ssyncset.done $0x0  }
0x33: {  	[sflag:s15] =	ssyncadd.s32 $0xFFFFF000  }
0x34: {  	_ =	swait.ge [sflag:s15], $0x1000  }
0x35: {  	[sflag:s15] =	ssyncset.done $0x0  }
0x36: {  	[sflag:s15] =	ssyncadd.s32 $0xFFFFF000  }
0x37: {  	_ =	swait.ge [sflag:s15], $0x1000  }
0x38: {  	[sflag:s15] =	ssyncset.done $0x0  }
0x39: {  	[sflag:s15] =	ssyncadd.s32 $0xFFFFF000  }
0x3a: {  	_ =	swait.ge [sflag:s15], $0x1000  }
0x3b: {  	[sflag:s15] =	ssyncset.done $0x0  }
0x3c: {  	[sflag:s15] =	ssyncadd.s32 $0xFFFFF000  }
0x3d: {  	_ =	swait.ge [sflag:s15], $0x1000  }
0x3e: {  	[sflag:s15] =	ssyncset.done $0x0  }
0x3f: {  	[sflag:s15] =	ssyncadd.s32 $0xFFFFF000  }
0x40: {  	_ =	swait.ge [sflag:s15], $0x1000  }
0x41: {  	[sflag:s15] =	ssyncset.done $0x0  }
0x42: {  	[sflag:s15] =	ssyncadd.s32 $0xFFFFF000  }
0x43: {  	_ =	swait.ge [sflag:s15], $0x1000  }
0x44: {  	[sflag:s15] =	ssyncset.done $0x0  }
0x45: {  	[sflag:s15] =	ssyncadd.s32 $0xFFFFF000  }
0x46: {  	[tilespmem:$0x1000] =	vst @!p0 v1  }
0x47: {  	[tilespmem:s18], [sflag:$0x1] =	stream.indirect.gather @!p0 [hbm4b:s3+s16], $0x1, s17, s16, $0xb8;
	[tilespmem:$0x1380] =	vst v63  }
0x48: {  	_ =	swait.ge @!p0 [sflag:s15], $0x10  }
0x49: {  	[sflag:s15] =	ssyncset.done @!p0 $0x0  }
0x4a: {  	[sflag:s15] =	ssyncadd.s32 @!p0 $0xFFFFFFF0  }
0x4b: {  	[tilespmem:$0x1000] =	vst @!p0 v2  }
0x4c: {  	[tilespmem:s19], [sflag:$0x1] =	stream.indirect.gather @!p0 [hbm4b:s3+s16], $0x1, s17, s16, $0xb8;
	[tilespmem:$0x1380] =	vst v63  }
0x4d: {  	_ =	swait.ge @!p0 [sflag:s15], $0x10  }
0x4e: {  	[sflag:s15] =	ssyncset.done @!p0 $0x0  }
0x4f: {  	[sflag:s15] =	ssyncadd.s32 @!p0 $0xFFFFFFF0  }
0x50: {  	[tilespmem:$0x1000] =	vst @!p0 v3  }
0x51: {  	[tilespmem:s20], [sflag:$0x1] =	stream.indirect.gather @!p0 [hbm4b:s1+s16], $0x1, s17, s16, $0xb8;
	[tilespmem:$0x1380] =	vst v63  }
0x52: {  	_ =	swait.ge @!p0 [sflag:s15], $0x10  }
0x53: {  	[sflag:s15] =	ssyncset.done @!p0 $0x0  }
0x54: {  	[sflag:s15] =	ssyncadd.s32 @!p0 $0xFFFFFFF0  }
0x55: {  	[tilespmem:$0x1000] =	vst @!p0 v4  }
0x56: {  	[tilespmem:s21], [sflag:$0x1] =	stream.indirect.gather @!p0 [hbm4b:s1+s16], $0x1, s17, s16, $0xb8;
	[tilespmem:$0x1380] =	vst v63  }
0x57: {  	_ =	swait.ge @!p0 [sflag:s15], $0x10  }
0x58: {  	[sflag:s15] =	ssyncset.done @!p0 $0x0  }
0x59: {  	[sflag:s15] =	ssyncadd.s32 @!p0 $0xFFFFFFF0  }
0x5a: {  	[tilespmem:$0x1000] =	vst @!p0 v5  }
0x5b: {  	[tilespmem:s22], [sflag:$0x1] =	stream.indirect.gather @!p0 [hbm4b:s1+s16], $0x1, s17, s16, $0xb8;
	[tilespmem:$0x1380] =	vst v63  }
0x5c: {  	_ =	swait.ge @!p0 [sflag:s15], $0x10  }
0x5d: {  	[sflag:s15] =	ssyncset.done @!p0 $0x0  }
0x5e: {  	[sflag:s15] =	ssyncadd.s32 @!p0 $0xFFFFFFF0  }
0x5f: {  	v6 =	vld @!p0 [tilespmem:$0x1100];
	_ =	sdelay $0x2  }
0x60: {  	v7 =	vld @!p0 [tilespmem:$0x1180]  }
0x61: {  	v8 =	vld @!p0 [tilespmem:$0x1200]  }
0x62: {  	v9 =	vld @!p0 [tilespmem:$0x1280];
	(erf) = vrcp.f32 @!p0 v6;
	_ =	sdelay $0x4  }
0x63: {  	v10 =	vld @!p0 [tilespmem:$0x1080];
	v7 =	vadd.f32 @!p0 v8, v7;
	v8 =	vadd.f32 @!p0 v9, v9;
	_ =	sdelay $0x3  }
0x64: {  	v7 =	vadd.f32 @!p0 v8, v7;
	v8 =	vpop @!p0 (erf)  }
0x65: {  	v8 =	vmul.f32 @!p0 v8, v10  }
0x66: {  	v6 =	vmul.f32 @!p0 v6, v10;
	v7 =	vsel @!p0 vm0, $0x0, v7  }
0x67: {  	s24 =	sadd.s32 $0x1, s24;
	v7 =	vsel @!p0 vm1, v7, v8  }
0x68: {  	p1 =	sne.s32 s24, s14;
	v6 =	vsel @!p0 vm2, v6, v7  }
.Ltmp1:
0x69: {  	[tilespmem:$0x1300] =	vst @!p0 v6;
	(pc) =	sbr.rel @p1 .LBB2_1-.Ltmp1, $4  }
0x6a: {  	[hbm4b:s4+s5] =	stream.linear.scatter @!p0 [tilespmem:s23], [sflag:$0x1], $0x10, $0x38;
	[tilespmem:$0x1380] =	vst v63  }
0x6b: {  	_ =	swait.ge @!p0 [sflag:s15], $0x10  }
0x6c: {  	[sflag:s15] =	ssyncset.done @!p0 $0x0  }
0x6d: {  	[sflag:s15] =	ssyncadd.s32 @!p0 $0xFFFFFFF0  }
0x6e: {  	_ =	sfence.sel $0x180000  }
0x6f: {  	[bflag:$0x0] =	sbarrier.arrive $0xFFFF  }
0x70: {  	p0 =	sne.s32 s0, $0x0;
	_ =	strace $0x90000047  }
0x71: {  	s0 =	sadd.s32 @!p0 $0x100000, s2;
	[bflag:$0x2] =	sbarrier.arrive $0xFFFF  }
0x72: {  	[sflag:s0] =	ssyncadd.tile.s32 @!p0 $0x1;
	_ =	shalt  }
.Lfunc_end2:
_tile_overlayer_lowered:
.L_overlay_start_2:
0x73: {  	(tag) =	ssettag $0x2  }
0x74: {  	s0 =	rddreg [dreg:$0x0];
	s2 =	stileid.u32  }
0x75: {  	s1 =	rddreg [dreg:$0x1];
	p0 =	sne.s32 s2, $0x0  }
0x76: {  	s3 =	rddreg [dreg:$0x2];
	[bflag:$0x3] =	sbarrier.arrive $0xFFFF;
	s2 =	simm.s32 @!p0 $0x1C02  }
0x77: {  	[timem:s3], [sflag:s2] =	dma.local @!p0 [hbm:s0], s1  }
0x78: {  	s0 =	simm.s32 @!p0 $0x2  }
0x79: {  	_ =	swait.ge @!p0 [sflag:s0], s1  }
0x7a: {  	s1 =	ssub.s32 @!p0 $0x0, s1;
	[sflag:s0] =	ssyncset.done @!p0 $0x0  }
0x7b: {  	[sflag:s0] =	ssyncadd.s32 @!p0 s1  }
0x7c: {  	[bflag:$0x3] =	sbarrier.arrive $0xFFFF  }
0x7d: {  	_ =	shalt  }

</sc_bundles>
